<compile_context>
chip_gen: v7x
topology: tpu7x:2x2x1
jax: 0.10.2.dev20260603
libtpu: 0.0.44.dev20260713+nightly
codegen_flags: <defaults>
</compile_context>

<pallas_src>
import functools
import math

import jax
import jax.numpy as jnp
from jax import lax
from jax.experimental import pallas as pl
from jax.experimental.pallas import tpu as pltpu
from jax.experimental.pallas import tpu_sc as plsc

_TOTAL_EPOCHS = 150
_EPOCH_CONST = 10


def _make_sc_gather(n, b):
    info = plsc.get_sparse_core_info()
    nc, ns = info.num_cores, info.num_subcores
    nw = nc * ns
    assert b % (8 * nw) == 0 and n % 8 == 0
    bpw = b // nw
    mesh = plsc.VectorSubcoreMesh(core_axis_name="c", subcore_axis_name="s")

    @functools.partial(
        pl.kernel,
        mesh=mesh,
        out_type=jax.ShapeDtypeStruct((b,), jnp.int32),
        scratch_types=[
            pltpu.VMEM((bpw,), jnp.int32),
            pltpu.VMEM((bpw,), jnp.int32),
            pltpu.SemaphoreType.DMA,
        ],
    )
    def gather_k(tbl_hbm, out_hbm, idx_v, vals_v, sem):
        wid = lax.axis_index("s") * nc + lax.axis_index("c")
        base = wid * bpw
        pltpu.sync_copy(tbl_hbm.at[pl.ds(n + base, bpw)], idx_v)
        pltpu.async_copy(tbl_hbm.at[idx_v], vals_v, sem).wait()
        pltpu.sync_copy(vals_v, out_hbm.at[pl.ds(base, bpw)])

    return gather_k


def _w_body(bin_size, c_dim, n_excl, n_sel, ut_ref, w_ref):
    uv = ut_ref[...]
    jidx = lax.broadcasted_iota(jnp.int32, (bin_size, c_dim), 0)
    excl = jnp.zeros((bin_size, c_dim), jnp.bool_)
    for _ in range(n_excl):
        mvals = jnp.where(excl, -jnp.inf, uv)
        m = jnp.max(mvals, axis=0, keepdims=True)
        is_m = mvals == m
        cand = jnp.where(is_m, jidx, -1)
        jsel = jnp.max(cand, axis=0, keepdims=True)
        excl = excl | (jidx == jsel)
    w_ref[...] = jnp.where(excl, 0.0, 1.0 / n_sel).astype(jnp.float32)


def _make_w_pass(bin_size, c_dim, n_excl, n_sel):
    body = functools.partial(_w_body, bin_size, c_dim, n_excl, n_sel)
    return pl.pallas_call(
        body,
        out_shape=jax.ShapeDtypeStruct((bin_size, c_dim), jnp.float32),
    )


def _phi_body(n, c_dim, d_dim, rs, w_ref, prev_ref, out_ref, oh_ref):
    i = pl.program_id(0)
    steps = n // rs

    @pl.when(i == 0)
    def _init():
        q = lax.broadcasted_iota(jnp.int32, (c_dim, rs), 1)
        cc = lax.broadcasted_iota(jnp.int32, (c_dim, rs), 0)
        qmod = q - (q // c_dim) * c_dim
        oh_ref[...] = (qmod == cc).astype(jnp.float32)
        out_ref[...] = jnp.zeros((c_dim, d_dim), jnp.float32)

    wrow = w_ref[...].reshape(1, rs)
    sw = oh_ref[...] * wrow
    out_ref[...] += lax.dot_general(
        sw, prev_ref[...], (((1,), (0,)), ((), ())),
        preferred_element_type=jnp.float32)

    @pl.when(i == steps - 1)
    def _fin():
        a = out_ref[...]
        nrm = jnp.sqrt(jnp.sum(a * a, axis=1, keepdims=True))
        out_ref[...] = a / nrm


def _make_phi_pass(n, c_dim, d_dim):
    rs = 5000
    steps = n // rs
    body = functools.partial(_phi_body, n, c_dim, d_dim, rs)
    return pl.pallas_call(
        body,
        grid=(steps,),
        in_specs=[
            pl.BlockSpec((1, 1, rs), lambda i: (i, 0, 0)),
            pl.BlockSpec((rs, d_dim), lambda i: (i, 0)),
        ],
        out_specs=pl.BlockSpec((c_dim, d_dim), lambda i: (0, 0)),
        out_shape=jax.ShapeDtypeStruct((c_dim, d_dim), jnp.float32),
        scratch_shapes=[pltpu.VMEM((c_dim, rs), jnp.float32)],
    )


def _loss_body(b_dim, c_dim, d_dim, bs, eps,
               ft_ref, yt_ref, phi_ref, ug_ref, hcb_ref, out_ref, acc_ref):
    i = pl.program_id(0)
    steps = b_dim // bs

    ft = ft_ref[...]
    yt = yt_ref[...]
    phi = phi_ref[...]
    ug = ug_ref[...].reshape(1, bs)
    hcb = hcb_ref[...]

    fm = jnp.max(ft, axis=0, keepdims=True)
    ef = jnp.exp(ft - fm)
    f_sm = ef / jnp.sum(ef, axis=0, keepdims=True)

    ss = lax.dot_general(jnp.ones((1, d_dim), jnp.float32), phi * phi,
                         (((1,), (1,)), ((), ())),
                         preferred_element_type=jnp.float32)
    inv_nrm = 1.0 / jnp.sqrt(ss)
    dots = lax.dot_general(hcb, phi, (((1,), (1,)), ((), ())),
                           preferred_element_type=jnp.float32)
    y_bar = (dots * inv_nrm) * yt
    y_bar = jnp.where(y_bar > 0.0, y_bar, 0.0)

    u_by = ug * yt
    t = jnp.clip(f_sm + u_by, eps, 1.0)

    cidx = lax.broadcasted_iota(jnp.int32, (c_dim, bs), 0)
    is_max = ft == fm
    first = jnp.min(jnp.where(is_max, cidx, c_dim), axis=0, keepdims=True)
    y_hat = (cidx == first).astype(jnp.float32)
    d2 = y_hat + u_by - yt

    elts = d2 * d2 - y_bar * jnp.log(t)

    @pl.when(i == 0)
    def _init():
        acc_ref[...] = jnp.zeros((c_dim, bs), jnp.float32)

    acc_ref[...] += elts

    @pl.when(i == steps - 1)
    def _fin():
        out_ref[...] = jnp.sum(acc_ref[...]) * (1.0 / b_dim) + jnp.zeros(
            (1, 1), jnp.float32)


def _make_loss_pass(b_dim, c_dim, d_dim):
    bs = 2048
    steps = b_dim // bs
    body = functools.partial(_loss_body, b_dim, c_dim, d_dim, bs, 1e-4)
    return pl.pallas_call(
        body,
        grid=(steps,),
        in_specs=[
            pl.BlockSpec((c_dim, bs), lambda i: (0, i)),
            pl.BlockSpec((c_dim, bs), lambda i: (0, i)),
            pl.BlockSpec((bs, d_dim), lambda i: (i, 0)),
            pl.BlockSpec((bs,), lambda i: (i,)),
            pl.BlockSpec((c_dim, d_dim), lambda i: (0, 0)),
        ],
        out_specs=pl.BlockSpec((1, 1), lambda i: (0, 0)),
        out_shape=jax.ShapeDtypeStruct((1, 1), jnp.float32),
        scratch_shapes=[pltpu.VMEM((c_dim, bs), jnp.float32)],
    )


def kernel(index, f_x_i, y, phi_x_i, flag, epoch, u, prev_phi_x_i):
    b_dim, c_dim = f_x_i.shape
    d_dim = phi_x_i.shape[1]
    n = u.shape[0]
    bin_size = n // c_dim
    percent = math.ceil(50 - 50 / _TOTAL_EPOCHS * _EPOCH_CONST + 50)
    n_sel = int(bin_size / 100 * percent)
    n_excl = bin_size - n_sel

    rs = 5000
    u_flat = u.reshape(n)
    ut = u_flat.reshape(bin_size, c_dim)

    tbl_idx = jnp.concatenate(
        [lax.bitcast_convert_type(u_flat, jnp.int32),
         index.astype(jnp.int32)])
    ug = lax.bitcast_convert_type(
        _make_sc_gather(n, b_dim)(tbl_idx), jnp.float32)
    w = _make_w_pass(bin_size, c_dim, n_excl, n_sel)(ut)
    wflat = w.reshape(n // rs, 1, rs)
    hcb = _make_phi_pass(n, c_dim, d_dim)(wflat, prev_phi_x_i)
    loss = _make_loss_pass(b_dim, c_dim, d_dim)(
        f_x_i.T, y.T, phi_x_i, ug, hcb)
    return loss[0, 0] + 0.0 * jnp.asarray(epoch, dtype=jnp.float32)

# --- scband reference (transcript-rebuilt; emitter-appended) ---
"""Pipeline reference for scband-ncod-loss-3676492006126 (READ-ONLY COPY).

The authoritative reference and input builder live on the scoring server;
editing this copy changes nothing except your own understanding.
"""

import jax, jax.numpy as jnp
import numpy as np
import math

N = 50000
C = 100
D = 512
B = 16384
TOTAL_EPOCHS = 150
MEAN = 1e-08
STD = 1e-09

EPOCH_CONST = 10


def setup_inputs(seed: int = 0) -> dict:
    key = jax.random.key(seed)
    k0, k1, k2, k3, k4, k5 = jax.random.split(key, 6)
    index = jax.random.randint(k0, (B,), 0, N)
    f_x_i = jax.random.normal(k1, (B, C), dtype=jnp.float32)
    y = jax.random.uniform(k2, (B, C), dtype=jnp.float32)
    phi_x_i = jax.random.normal(k3, (B, D), dtype=jnp.float32)
    # learned parameter u ~ N(1e-8, 1e-9), shape (n, 1)
    u = (MEAN + STD * jax.random.normal(k4, (N, 1))).astype(jnp.float32)
    # buffer prev_phi_x_i initialized with torch.rand((n, encoder_features))
    prev_phi_x_i = jax.random.uniform(k5, (N, D), dtype=jnp.float32)
    return {"index": index, "f_x_i": f_x_i, "y": y, "phi_x_i": phi_x_i,
            "flag": 0, "epoch": 10, "u": u, "prev_phi_x_i": prev_phi_x_i}


def reference(index, f_x_i, y, phi_x_i, flag, epoch, u, prev_phi_x_i):
    eps = 1e-4
    sg = jax.lax.stop_gradient
    # len(f_x_i) == len(index): no chunking branch
    u_g = u[index]  # (B, 1) gather
    # flag == 0 path: recompute class prototypes phi_c from per-class bottom-k of u
    percent = math.ceil(50 - 50 / TOTAL_EPOCHS * EPOCH_CONST + 50)
    bin_size = N // C
    # labels = arange(N) % C, so bins[i] = [i, i+C, i+2C, ...]
    bins = jnp.arange(N).reshape(bin_size, C).T  # (C, bin_size)
    class_u = sg(u)[bins][:, :, 0]  # (C, bin_size)
    bottomK = int(bin_size / 100 * percent)
    _, small_idx = jax.lax.top_k(-class_u, bottomK)  # smallest-u indices per class
    gathered = prev_phi_x_i[bins]  # (C, bin_size, D)
    sel = jnp.take_along_axis(gathered, small_idx[:, :, None], axis=1)  # (C, bottomK, D)
    phi_c = jnp.mean(sel, axis=1)  # (C, D)
    h_c_bar = phi_c / jnp.linalg.norm(phi_c, axis=1, keepdims=True)
    h_c_bar_T = h_c_bar.T  # (D, C)
    # (state update prev_phi_x_i[index] = phi_x_i is a side effect; does not affect loss)
    f_sm = jax.nn.softmax(f_x_i, axis=1)
    phi_det = sg(phi_x_i)
    h_i = phi_det / jnp.linalg.norm(phi_det, axis=1, keepdims=True)
    y_bar = (h_i @ h_c_bar_T) * y
    y_bar = y_bar * (y_bar > 0.0).astype(jnp.float32)
    u_by = u_g * y  # (B, C) via broadcast
    f_sm = jnp.clip(f_sm + sg(u_by), eps, 1.0)
    L1 = jnp.mean(-jnp.sum(y_bar * jnp.log(f_sm), axis=1))
    # soft_to_hard: one-hot of argmax (no grad)
    y_hat = jax.nn.one_hot(jnp.argmax(sg(f_x_i), axis=1), C, dtype=jnp.float32)
    L2 = jnp.sum(jnp.square(y_hat + u_by - y)) / y.shape[0]
    return L1 + L2 + 0.0 * jnp.asarray(epoch, dtype=jnp.float32)

if __name__ == "__main__":
    import jax
    _d = setup_inputs()
    print(jax.jit(kernel)(*tuple(_d.values())))

</pallas_src>

<mosaic_0001>
#map = affine_map<(d0, d1) -> (0)>
module attributes {stable_mosaic.version = 14 : i64} {
  func.func @gather_k(%arg0: i32, %arg1: i32, %arg2: memref<66384xi32, #tpu.memory_space<hbm>>, %arg3: memref<16384xi32, #tpu.memory_space<hbm>>, %arg4: memref<512xi32, #tpu.memory_space<vmem>>, %arg5: memref<512xi32, #tpu.memory_space<vmem>>, %arg6: memref<!tpu.dma_semaphore, #tpu.memory_space<semaphore_mem>>) attributes {dimension_semantics = [#tpu.dimension_semantics<core_parallel>, #tpu.dimension_semantics<subcore_parallel>], iteration_bounds = array<i64: 2, 16>, scalar_prefetch = 0 : i64, scratch_operands = 3 : i64, tpu.core_type = #tpu.core_type<sc_vector_subcore>, window_params = [{transform_indices = #map}, {transform_indices = #map}]} {
    %mul3A = arith.constant 2 : i32
    %mul3A_0 = arith.muli %arg1, %mul3A : i32
    %add3A = arith.addi %mul3A_0, %arg0 : i32
    %mul3A_1 = arith.constant 512 : i32
    %mul3A_2 = arith.muli %add3A, %mul3A_1 : i32
    %add3A_3 = arith.constant 50000 : i32
    %add3A_4 = arith.addi %add3A_3, %mul3A_2 : i32
    "tpu.region"() ({
      %run_scoped3A = tpu.sem_alloc : memref<!tpu.dma_semaphore, #tpu.memory_space<semaphore_mem>>
      %dma_start3A_7 = tpu.memref_slice %arg2[%add3A_4] : memref<66384xi32, #tpu.memory_space<hbm>> -> memref<512xi32, #tpu.memory_space<hbm>>
      %dma_start3A_8 = tpu.memref_slice %arg2[%add3A_4] : memref<66384xi32, #tpu.memory_space<hbm>> -> memref<512xi32, #tpu.memory_space<hbm>>
      tpu.enqueue_dma source(%dma_start3A_8 : memref<512xi32, #tpu.memory_space<hbm>>) target(%arg4 : memref<512xi32, #tpu.memory_space<vmem>>) target_semaphore(%run_scoped3A : memref<!tpu.dma_semaphore, #tpu.memory_space<semaphore_mem>>)
      %dma_wait3A_9 = tpu.memref_slice %arg2[%add3A_4] : memref<66384xi32, #tpu.memory_space<hbm>> -> memref<512xi32, #tpu.memory_space<hbm>>
      %dma_wait3A_10 = tpu.memref_slice %arg2[%add3A_4] : memref<66384xi32, #tpu.memory_space<hbm>> -> memref<512xi32, #tpu.memory_space<hbm>>
      tpu.wait_dma2 semaphore(%run_scoped3A : memref<!tpu.dma_semaphore, #tpu.memory_space<semaphore_mem>>) src(%dma_wait3A_10 : memref<512xi32, #tpu.memory_space<hbm>>) dst(%arg4 : memref<512xi32, #tpu.memory_space<vmem>>)
      tpu.yield
    }) : () -> ()
    %dma_start3A = arith.constant 0 : i32
    %dma_start3A_5 = tpu.memref_slice %arg2[%dma_start3A] : memref<66384xi32, #tpu.memory_space<hbm>> -> memref<66384xi32, #tpu.memory_space<hbm>>
    tpu.enqueue_indirect_dma source(%dma_start3A_5 : memref<66384xi32, #tpu.memory_space<hbm>>) target(%arg5 : memref<512xi32, #tpu.memory_space<vmem>>) offsets(%arg4 : memref<512xi32, #tpu.memory_space<vmem>>) semaphore(%arg6 : memref<!tpu.dma_semaphore, #tpu.memory_space<semaphore_mem>>)
    %dma_wait3A = arith.constant 0 : i32
    %dma_wait3A_6 = tpu.memref_slice %arg2[%dma_wait3A] : memref<66384xi32, #tpu.memory_space<hbm>> -> memref<66384xi32, #tpu.memory_space<hbm>>
    tpu.wait_indirect_dma semaphore(%arg6 : memref<!tpu.dma_semaphore, #tpu.memory_space<semaphore_mem>>) src(%dma_wait3A_6 : memref<66384xi32, #tpu.memory_space<hbm>>) dst(%arg5 : memref<512xi32, #tpu.memory_space<vmem>>)
    "tpu.region"() ({
      %run_scoped3A = tpu.sem_alloc : memref<!tpu.dma_semaphore, #tpu.memory_space<semaphore_mem>>
      %dma_start3A_7 = tpu.memref_slice %arg3[%mul3A_2] : memref<16384xi32, #tpu.memory_space<hbm>> -> memref<512xi32, #tpu.memory_space<hbm>>
      %dma_start3A_8 = tpu.memref_slice %arg3[%mul3A_2] : memref<16384xi32, #tpu.memory_space<hbm>> -> memref<512xi32, #tpu.memory_space<hbm>>
      tpu.enqueue_dma source(%arg5 : memref<512xi32, #tpu.memory_space<vmem>>) target(%dma_start3A_8 : memref<512xi32, #tpu.memory_space<hbm>>) target_semaphore(%run_scoped3A : memref<!tpu.dma_semaphore, #tpu.memory_space<semaphore_mem>>)
      %dma_wait3A_9 = tpu.memref_slice %arg3[%mul3A_2] : memref<16384xi32, #tpu.memory_space<hbm>> -> memref<512xi32, #tpu.memory_space<hbm>>
      %dma_wait3A_10 = tpu.memref_slice %arg3[%mul3A_2] : memref<16384xi32, #tpu.memory_space<hbm>> -> memref<512xi32, #tpu.memory_space<hbm>>
      tpu.wait_dma2 semaphore(%run_scoped3A : memref<!tpu.dma_semaphore, #tpu.memory_space<semaphore_mem>>) src(%arg5 : memref<512xi32, #tpu.memory_space<vmem>>) dst(%dma_wait3A_10 : memref<512xi32, #tpu.memory_space<hbm>>)
      tpu.yield
    }) : () -> ()
    return
  }
}

module attributes {stable_mosaic.version = 14 : i64} {
  func.func @_w_body(%arg0: memref<500x100xf32, #tpu.memory_space<vmem>>, %arg1: memref<500x100xf32, #tpu.memory_space<vmem>>) attributes {dimension_semantics = [], scalar_prefetch = 0 : i64, scratch_operands = 0 : i64, tpu.core_type = #tpu.core_type<tc>} {
    %get3A = arith.constant 0 : index
    %get3A_0 = arith.constant 0 : index
    %get3A_1 = vector.load %arg0[%get3A, %get3A_0] : memref<500x100xf32, #tpu.memory_space<vmem>>, vector<500x100xf32>
    %iota3A = tpu.iota {dimensions = array<i32: 0>} : vector<500x100xi32>
    %broadcast_in_dim3A = arith.constant false
    %broadcast_in_dim3A_2 = vector.broadcast %broadcast_in_dim3A : i1 to vector<500x100xi1>
    %jit3A = arith.constant 0xFF800000 : f32
    %broadcast_in_dim3A_3 = vector.broadcast %jit3A : f32 to vector<500x100xf32>
    %select_n3A = arith.select %broadcast_in_dim3A_2, %broadcast_in_dim3A_3, %get3A_1 : vector<500x100xi1>, vector<500x100xf32>
    %reduce_max3A = arith.constant dense<0xFF800000> : vector<100xf32>
    %reduce_max3A_4 = vector.multi_reduction <maximumf>, %select_n3A, %reduce_max3A [0] : vector<500x100xf32> to vector<100xf32>
    %broadcast_in_dim3A_5 = vector.shape_cast %reduce_max3A_4 : vector<100xf32> to vector<1x100xf32>
    %eq3A = vector.broadcast %broadcast_in_dim3A_5 : vector<1x100xf32> to vector<500x100xf32>
    %eq3A_6 = arith.cmpf oeq, %select_n3A, %eq3A : vector<500x100xf32>
    %jit3A_7 = arith.constant -1 : i32
    %broadcast_in_dim3A_8 = vector.broadcast %jit3A_7 : i32 to vector<500x100xi32>
    %select_n3A_9 = arith.select %eq3A_6, %iota3A, %broadcast_in_dim3A_8 : vector<500x100xi1>, vector<500x100xi32>
    %reduce_max3A_10 = arith.constant dense<-2147483648> : vector<100xi32>
    %reduce_max3A_11 = vector.multi_reduction <maxsi>, %select_n3A_9, %reduce_max3A_10 [0] : vector<500x100xi32> to vector<100xi32>
    %broadcast_in_dim3A_12 = vector.shape_cast %reduce_max3A_11 : vector<100xi32> to vector<1x100xi32>
    %eq3A_13 = vector.broadcast %broadcast_in_dim3A_12 : vector<1x100xi32> to vector<500x100xi32>
    %eq3A_14 = arith.cmpi eq, %iota3A, %eq3A_13 : vector<500x100xi32>
    %or3A = arith.ori %broadcast_in_dim3A_2, %eq3A_14 : vector<500x100xi1>
    %jit3A_15 = arith.constant 0xFF800000 : f32
    %broadcast_in_dim3A_16 = vector.broadcast %jit3A_15 : f32 to vector<500x100xf32>
    %select_n3A_17 = arith.select %or3A, %broadcast_in_dim3A_16, %get3A_1 : vector<500x100xi1>, vector<500x100xf32>
    %reduce_max3A_18 = arith.constant dense<0xFF800000> : vector<100xf32>
    %reduce_max3A_19 = vector.multi_reduction <maximumf>, %select_n3A_17, %reduce_max3A_18 [0] : vector<500x100xf32> to vector<100xf32>
    %broadcast_in_dim3A_20 = vector.shape_cast %reduce_max3A_19 : vector<100xf32> to vector<1x100xf32>
    %eq3A_21 = vector.broadcast %broadcast_in_dim3A_20 : vector<1x100xf32> to vector<500x100xf32>
    %eq3A_22 = arith.cmpf oeq, %select_n3A_17, %eq3A_21 : vector<500x100xf32>
    %jit3A_23 = arith.constant -1 : i32
    %broadcast_in_dim3A_24 = vector.broadcast %jit3A_23 : i32 to vector<500x100xi32>
    %select_n3A_25 = arith.select %eq3A_22, %iota3A, %broadcast_in_dim3A_24 : vector<500x100xi1>, vector<500x100xi32>
    %reduce_max3A_26 = arith.constant dense<-2147483648> : vector<100xi32>
    %reduce_max3A_27 = vector.multi_reduction <maxsi>, %select_n3A_25, %reduce_max3A_26 [0] : vector<500x100xi32> to vector<100xi32>
    %broadcast_in_dim3A_28 = vector.shape_cast %reduce_max3A_27 : vector<100xi32> to vector<1x100xi32>
    %eq3A_29 = vector.broadcast %broadcast_in_dim3A_28 : vector<1x100xi32> to vector<500x100xi32>
    %eq3A_30 = arith.cmpi eq, %iota3A, %eq3A_29 : vector<500x100xi32>
    %or3A_31 = arith.ori %or3A, %eq3A_30 : vector<500x100xi1>
    %jit3A_32 = arith.constant 0xFF800000 : f32
    %broadcast_in_dim3A_33 = vector.broadcast %jit3A_32 : f32 to vector<500x100xf32>
    %select_n3A_34 = arith.select %or3A_31, %broadcast_in_dim3A_33, %get3A_1 : vector<500x100xi1>, vector<500x100xf32>
    %reduce_max3A_35 = arith.constant dense<0xFF800000> : vector<100xf32>
    %reduce_max3A_36 = vector.multi_reduction <maximumf>, %select_n3A_34, %reduce_max3A_35 [0] : vector<500x100xf32> to vector<100xf32>
    %broadcast_in_dim3A_37 = vector.shape_cast %reduce_max3A_36 : vector<100xf32> to vector<1x100xf32>
    %eq3A_38 = vector.broadcast %broadcast_in_dim3A_37 : vector<1x100xf32> to vector<500x100xf32>
    %eq3A_39 = arith.cmpf oeq, %select_n3A_34, %eq3A_38 : vector<500x100xf32>
    %jit3A_40 = arith.constant -1 : i32
    %broadcast_in_dim3A_41 = vector.broadcast %jit3A_40 : i32 to vector<500x100xi32>
    %select_n3A_42 = arith.select %eq3A_39, %iota3A, %broadcast_in_dim3A_41 : vector<500x100xi1>, vector<500x100xi32>
    %reduce_max3A_43 = arith.constant dense<-2147483648> : vector<100xi32>
    %reduce_max3A_44 = vector.multi_reduction <maxsi>, %select_n3A_42, %reduce_max3A_43 [0] : vector<500x100xi32> to vector<100xi32>
    %broadcast_in_dim3A_45 = vector.shape_cast %reduce_max3A_44 : vector<100xi32> to vector<1x100xi32>
    %eq3A_46 = vector.broadcast %broadcast_in_dim3A_45 : vector<1x100xi32> to vector<500x100xi32>
    %eq3A_47 = arith.cmpi eq, %iota3A, %eq3A_46 : vector<500x100xi32>
    %or3A_48 = arith.ori %or3A_31, %eq3A_47 : vector<500x100xi1>
    %jit3A_49 = arith.constant 0xFF800000 : f32
    %broadcast_in_dim3A_50 = vector.broadcast %jit3A_49 : f32 to vector<500x100xf32>
    %select_n3A_51 = arith.select %or3A_48, %broadcast_in_dim3A_50, %get3A_1 : vector<500x100xi1>, vector<500x100xf32>
    %reduce_max3A_52 = arith.constant dense<0xFF800000> : vector<100xf32>
    %reduce_max3A_53 = vector.multi_reduction <maximumf>, %select_n3A_51, %reduce_max3A_52 [0] : vector<500x100xf32> to vector<100xf32>
    %broadcast_in_dim3A_54 = vector.shape_cast %reduce_max3A_53 : vector<100xf32> to vector<1x100xf32>
    %eq3A_55 = vector.broadcast %broadcast_in_dim3A_54 : vector<1x100xf32> to vector<500x100xf32>
    %eq3A_56 = arith.cmpf oeq, %select_n3A_51, %eq3A_55 : vector<500x100xf32>
    %jit3A_57 = arith.constant -1 : i32
    %broadcast_in_dim3A_58 = vector.broadcast %jit3A_57 : i32 to vector<500x100xi32>
    %select_n3A_59 = arith.select %eq3A_56, %iota3A, %broadcast_in_dim3A_58 : vector<500x100xi1>, vector<500x100xi32>
    %reduce_max3A_60 = arith.constant dense<-2147483648> : vector<100xi32>
    %reduce_max3A_61 = vector.multi_reduction <maxsi>, %select_n3A_59, %reduce_max3A_60 [0] : vector<500x100xi32> to vector<100xi32>
    %broadcast_in_dim3A_62 = vector.shape_cast %reduce_max3A_61 : vector<100xi32> to vector<1x100xi32>
    %eq3A_63 = vector.broadcast %broadcast_in_dim3A_62 : vector<1x100xi32> to vector<500x100xi32>
    %eq3A_64 = arith.cmpi eq, %iota3A, %eq3A_63 : vector<500x100xi32>
    %or3A_65 = arith.ori %or3A_48, %eq3A_64 : vector<500x100xi1>
    %jit3A_66 = arith.constant 0xFF800000 : f32
    %broadcast_in_dim3A_67 = vector.broadcast %jit3A_66 : f32 to vector<500x100xf32>
    %select_n3A_68 = arith.select %or3A_65, %broadcast_in_dim3A_67, %get3A_1 : vector<500x100xi1>, vector<500x100xf32>
    %reduce_max3A_69 = arith.constant dense<0xFF800000> : vector<100xf32>
    %reduce_max3A_70 = vector.multi_reduction <maximumf>, %select_n3A_68, %reduce_max3A_69 [0] : vector<500x100xf32> to vector<100xf32>
    %broadcast_in_dim3A_71 = vector.shape_cast %reduce_max3A_70 : vector<100xf32> to vector<1x100xf32>
    %eq3A_72 = vector.broadcast %broadcast_in_dim3A_71 : vector<1x100xf32> to vector<500x100xf32>
    %eq3A_73 = arith.cmpf oeq, %select_n3A_68, %eq3A_72 : vector<500x100xf32>
    %jit3A_74 = arith.constant -1 : i32
    %broadcast_in_dim3A_75 = vector.broadcast %jit3A_74 : i32 to vector<500x100xi32>
    %select_n3A_76 = arith.select %eq3A_73, %iota3A, %broadcast_in_dim3A_75 : vector<500x100xi1>, vector<500x100xi32>
    %reduce_max3A_77 = arith.constant dense<-2147483648> : vector<100xi32>
    %reduce_max3A_78 = vector.multi_reduction <maxsi>, %select_n3A_76, %reduce_max3A_77 [0] : vector<500x100xi32> to vector<100xi32>
    %broadcast_in_dim3A_79 = vector.shape_cast %reduce_max3A_78 : vector<100xi32> to vector<1x100xi32>
    %eq3A_80 = vector.broadcast %broadcast_in_dim3A_79 : vector<1x100xi32> to vector<500x100xi32>
    %eq3A_81 = arith.cmpi eq, %iota3A, %eq3A_80 : vector<500x100xi32>
    %or3A_82 = arith.ori %or3A_65, %eq3A_81 : vector<500x100xi1>
    %jit3A_83 = arith.constant 0xFF800000 : f32
    %broadcast_in_dim3A_84 = vector.broadcast %jit3A_83 : f32 to vector<500x100xf32>
    %select_n3A_85 = arith.select %or3A_82, %broadcast_in_dim3A_84, %get3A_1 : vector<500x100xi1>, vector<500x100xf32>
    %reduce_max3A_86 = arith.constant dense<0xFF800000> : vector<100xf32>
    %reduce_max3A_87 = vector.multi_reduction <maximumf>, %select_n3A_85, %reduce_max3A_86 [0] : vector<500x100xf32> to vector<100xf32>
    %broadcast_in_dim3A_88 = vector.shape_cast %reduce_max3A_87 : vector<100xf32> to vector<1x100xf32>
    %eq3A_89 = vector.broadcast %broadcast_in_dim3A_88 : vector<1x100xf32> to vector<500x100xf32>
    %eq3A_90 = arith.cmpf oeq, %select_n3A_85, %eq3A_89 : vector<500x100xf32>
    %jit3A_91 = arith.constant -1 : i32
    %broadcast_in_dim3A_92 = vector.broadcast %jit3A_91 : i32 to vector<500x100xi32>
    %select_n3A_93 = arith.select %eq3A_90, %iota3A, %broadcast_in_dim3A_92 : vector<500x100xi1>, vector<500x100xi32>
    %reduce_max3A_94 = arith.constant dense<-2147483648> : vector<100xi32>
    %reduce_max3A_95 = vector.multi_reduction <maxsi>, %select_n3A_93, %reduce_max3A_94 [0] : vector<500x100xi32> to vector<100xi32>
    %broadcast_in_dim3A_96 = vector.shape_cast %reduce_max3A_95 : vector<100xi32> to vector<1x100xi32>
    %eq3A_97 = vector.broadcast %broadcast_in_dim3A_96 : vector<1x100xi32> to vector<500x100xi32>
    %eq3A_98 = arith.cmpi eq, %iota3A, %eq3A_97 : vector<500x100xi32>
    %or3A_99 = arith.ori %or3A_82, %eq3A_98 : vector<500x100xi1>
    %jit3A_100 = arith.constant 0xFF800000 : f32
    %broadcast_in_dim3A_101 = vector.broadcast %jit3A_100 : f32 to vector<500x100xf32>
    %select_n3A_102 = arith.select %or3A_99, %broadcast_in_dim3A_101, %get3A_1 : vector<500x100xi1>, vector<500x100xf32>
    %reduce_max3A_103 = arith.constant dense<0xFF800000> : vector<100xf32>
    %reduce_max3A_104 = vector.multi_reduction <maximumf>, %select_n3A_102, %reduce_max3A_103 [0] : vector<500x100xf32> to vector<100xf32>
    %broadcast_in_dim3A_105 = vector.shape_cast %reduce_max3A_104 : vector<100xf32> to vector<1x100xf32>
    %eq3A_106 = vector.broadcast %broadcast_in_dim3A_105 : vector<1x100xf32> to vector<500x100xf32>
    %eq3A_107 = arith.cmpf oeq, %select_n3A_102, %eq3A_106 : vector<500x100xf32>
    %jit3A_108 = arith.constant -1 : i32
    %broadcast_in_dim3A_109 = vector.broadcast %jit3A_108 : i32 to vector<500x100xi32>
    %select_n3A_110 = arith.select %eq3A_107, %iota3A, %broadcast_in_dim3A_109 : vector<500x100xi1>, vector<500x100xi32>
    %reduce_max3A_111 = arith.constant dense<-2147483648> : vector<100xi32>
    %reduce_max3A_112 = vector.multi_reduction <maxsi>, %select_n3A_110, %reduce_max3A_111 [0] : vector<500x100xi32> to vector<100xi32>
    %broadcast_in_dim3A_113 = vector.shape_cast %reduce_max3A_112 : vector<100xi32> to vector<1x100xi32>
    %eq3A_114 = vector.broadcast %broadcast_in_dim3A_113 : vector<1x100xi32> to vector<500x100xi32>
    %eq3A_115 = arith.cmpi eq, %iota3A, %eq3A_114 : vector<500x100xi32>
    %or3A_116 = arith.ori %or3A_99, %eq3A_115 : vector<500x100xi1>
    %jit3A_117 = arith.constant 0xFF800000 : f32
    %broadcast_in_dim3A_118 = vector.broadcast %jit3A_117 : f32 to vector<500x100xf32>
    %select_n3A_119 = arith.select %or3A_116, %broadcast_in_dim3A_118, %get3A_1 : vector<500x100xi1>, vector<500x100xf32>
    %reduce_max3A_120 = arith.constant dense<0xFF800000> : vector<100xf32>
    %reduce_max3A_121 = vector.multi_reduction <maximumf>, %select_n3A_119, %reduce_max3A_120 [0] : vector<500x100xf32> to vector<100xf32>
    %broadcast_in_dim3A_122 = vector.shape_cast %reduce_max3A_121 : vector<100xf32> to vector<1x100xf32>
    %eq3A_123 = vector.broadcast %broadcast_in_dim3A_122 : vector<1x100xf32> to vector<500x100xf32>
    %eq3A_124 = arith.cmpf oeq, %select_n3A_119, %eq3A_123 : vector<500x100xf32>
    %jit3A_125 = arith.constant -1 : i32
    %broadcast_in_dim3A_126 = vector.broadcast %jit3A_125 : i32 to vector<500x100xi32>
    %select_n3A_127 = arith.select %eq3A_124, %iota3A, %broadcast_in_dim3A_126 : vector<500x100xi1>, vector<500x100xi32>
    %reduce_max3A_128 = arith.constant dense<-2147483648> : vector<100xi32>
    %reduce_max3A_129 = vector.multi_reduction <maxsi>, %select_n3A_127, %reduce_max3A_128 [0] : vector<500x100xi32> to vector<100xi32>
    %broadcast_in_dim3A_130 = vector.shape_cast %reduce_max3A_129 : vector<100xi32> to vector<1x100xi32>
    %eq3A_131 = vector.broadcast %broadcast_in_dim3A_130 : vector<1x100xi32> to vector<500x100xi32>
    %eq3A_132 = arith.cmpi eq, %iota3A, %eq3A_131 : vector<500x100xi32>
    %or3A_133 = arith.ori %or3A_116, %eq3A_132 : vector<500x100xi1>
    %jit3A_134 = arith.constant 0xFF800000 : f32
    %broadcast_in_dim3A_135 = vector.broadcast %jit3A_134 : f32 to vector<500x100xf32>
    %select_n3A_136 = arith.select %or3A_133, %broadcast_in_dim3A_135, %get3A_1 : vector<500x100xi1>, vector<500x100xf32>
    %reduce_max3A_137 = arith.constant dense<0xFF800000> : vector<100xf32>
    %reduce_max3A_138 = vector.multi_reduction <maximumf>, %select_n3A_136, %reduce_max3A_137 [0] : vector<500x100xf32> to vector<100xf32>
    %broadcast_in_dim3A_139 = vector.shape_cast %reduce_max3A_138 : vector<100xf32> to vector<1x100xf32>
    %eq3A_140 = vector.broadcast %broadcast_in_dim3A_139 : vector<1x100xf32> to vector<500x100xf32>
    %eq3A_141 = arith.cmpf oeq, %select_n3A_136, %eq3A_140 : vector<500x100xf32>
    %jit3A_142 = arith.constant -1 : i32
    %broadcast_in_dim3A_143 = vector.broadcast %jit3A_142 : i32 to vector<500x100xi32>
    %select_n3A_144 = arith.select %eq3A_141, %iota3A, %broadcast_in_dim3A_143 : vector<500x100xi1>, vector<500x100xi32>
    %reduce_max3A_145 = arith.constant dense<-2147483648> : vector<100xi32>
    %reduce_max3A_146 = vector.multi_reduction <maxsi>, %select_n3A_144, %reduce_max3A_145 [0] : vector<500x100xi32> to vector<100xi32>
    %broadcast_in_dim3A_147 = vector.shape_cast %reduce_max3A_146 : vector<100xi32> to vector<1x100xi32>
    %eq3A_148 = vector.broadcast %broadcast_in_dim3A_147 : vector<1x100xi32> to vector<500x100xi32>
    %eq3A_149 = arith.cmpi eq, %iota3A, %eq3A_148 : vector<500x100xi32>
    %or3A_150 = arith.ori %or3A_133, %eq3A_149 : vector<500x100xi1>
    %jit3A_151 = arith.constant 0xFF800000 : f32
    %broadcast_in_dim3A_152 = vector.broadcast %jit3A_151 : f32 to vector<500x100xf32>
    %select_n3A_153 = arith.select %or3A_150, %broadcast_in_dim3A_152, %get3A_1 : vector<500x100xi1>, vector<500x100xf32>
    %reduce_max3A_154 = arith.constant dense<0xFF800000> : vector<100xf32>
    %reduce_max3A_155 = vector.multi_reduction <maximumf>, %select_n3A_153, %reduce_max3A_154 [0] : vector<500x100xf32> to vector<100xf32>
    %broadcast_in_dim3A_156 = vector.shape_cast %reduce_max3A_155 : vector<100xf32> to vector<1x100xf32>
    %eq3A_157 = vector.broadcast %broadcast_in_dim3A_156 : vector<1x100xf32> to vector<500x100xf32>
    %eq3A_158 = arith.cmpf oeq, %select_n3A_153, %eq3A_157 : vector<500x100xf32>
    %jit3A_159 = arith.constant -1 : i32
    %broadcast_in_dim3A_160 = vector.broadcast %jit3A_159 : i32 to vector<500x100xi32>
    %select_n3A_161 = arith.select %eq3A_158, %iota3A, %broadcast_in_dim3A_160 : vector<500x100xi1>, vector<500x100xi32>
    %reduce_max3A_162 = arith.constant dense<-2147483648> : vector<100xi32>
    %reduce_max3A_163 = vector.multi_reduction <maxsi>, %select_n3A_161, %reduce_max3A_162 [0] : vector<500x100xi32> to vector<100xi32>
    %broadcast_in_dim3A_164 = vector.shape_cast %reduce_max3A_163 : vector<100xi32> to vector<1x100xi32>
    %eq3A_165 = vector.broadcast %broadcast_in_dim3A_164 : vector<1x100xi32> to vector<500x100xi32>
    %eq3A_166 = arith.cmpi eq, %iota3A, %eq3A_165 : vector<500x100xi32>
    %or3A_167 = arith.ori %or3A_150, %eq3A_166 : vector<500x100xi1>
    %jit3A_168 = arith.constant 0xFF800000 : f32
    %broadcast_in_dim3A_169 = vector.broadcast %jit3A_168 : f32 to vector<500x100xf32>
    %select_n3A_170 = arith.select %or3A_167, %broadcast_in_dim3A_169, %get3A_1 : vector<500x100xi1>, vector<500x100xf32>
    %reduce_max3A_171 = arith.constant dense<0xFF800000> : vector<100xf32>
    %reduce_max3A_172 = vector.multi_reduction <maximumf>, %select_n3A_170, %reduce_max3A_171 [0] : vector<500x100xf32> to vector<100xf32>
    %broadcast_in_dim3A_173 = vector.shape_cast %reduce_max3A_172 : vector<100xf32> to vector<1x100xf32>
    %eq3A_174 = vector.broadcast %broadcast_in_dim3A_173 : vector<1x100xf32> to vector<500x100xf32>
    %eq3A_175 = arith.cmpf oeq, %select_n3A_170, %eq3A_174 : vector<500x100xf32>
    %jit3A_176 = arith.constant -1 : i32
    %broadcast_in_dim3A_177 = vector.broadcast %jit3A_176 : i32 to vector<500x100xi32>
    %select_n3A_178 = arith.select %eq3A_175, %iota3A, %broadcast_in_dim3A_177 : vector<500x100xi1>, vector<500x100xi32>
    %reduce_max3A_179 = arith.constant dense<-2147483648> : vector<100xi32>
    %reduce_max3A_180 = vector.multi_reduction <maxsi>, %select_n3A_178, %reduce_max3A_179 [0] : vector<500x100xi32> to vector<100xi32>
    %broadcast_in_dim3A_181 = vector.shape_cast %reduce_max3A_180 : vector<100xi32> to vector<1x100xi32>
    %eq3A_182 = vector.broadcast %broadcast_in_dim3A_181 : vector<1x100xi32> to vector<500x100xi32>
    %eq3A_183 = arith.cmpi eq, %iota3A, %eq3A_182 : vector<500x100xi32>
    %or3A_184 = arith.ori %or3A_167, %eq3A_183 : vector<500x100xi1>
    %jit3A_185 = arith.constant 0xFF800000 : f32
    %broadcast_in_dim3A_186 = vector.broadcast %jit3A_185 : f32 to vector<500x100xf32>
    %select_n3A_187 = arith.select %or3A_184, %broadcast_in_dim3A_186, %get3A_1 : vector<500x100xi1>, vector<500x100xf32>
    %reduce_max3A_188 = arith.constant dense<0xFF800000> : vector<100xf32>
    %reduce_max3A_189 = vector.multi_reduction <maximumf>, %select_n3A_187, %reduce_max3A_188 [0] : vector<500x100xf32> to vector<100xf32>
    %broadcast_in_dim3A_190 = vector.shape_cast %reduce_max3A_189 : vector<100xf32> to vector<1x100xf32>
    %eq3A_191 = vector.broadcast %broadcast_in_dim3A_190 : vector<1x100xf32> to vector<500x100xf32>
    %eq3A_192 = arith.cmpf oeq, %select_n3A_187, %eq3A_191 : vector<500x100xf32>
    %jit3A_193 = arith.constant -1 : i32
    %broadcast_in_dim3A_194 = vector.broadcast %jit3A_193 : i32 to vector<500x100xi32>
    %select_n3A_195 = arith.select %eq3A_192, %iota3A, %broadcast_in_dim3A_194 : vector<500x100xi1>, vector<500x100xi32>
    %reduce_max3A_196 = arith.constant dense<-2147483648> : vector<100xi32>
    %reduce_max3A_197 = vector.multi_reduction <maxsi>, %select_n3A_195, %reduce_max3A_196 [0] : vector<500x100xi32> to vector<100xi32>
    %broadcast_in_dim3A_198 = vector.shape_cast %reduce_max3A_197 : vector<100xi32> to vector<1x100xi32>
    %eq3A_199 = vector.broadcast %broadcast_in_dim3A_198 : vector<1x100xi32> to vector<500x100xi32>
    %eq3A_200 = arith.cmpi eq, %iota3A, %eq3A_199 : vector<500x100xi32>
    %or3A_201 = arith.ori %or3A_184, %eq3A_200 : vector<500x100xi1>
    %jit3A_202 = arith.constant 0xFF800000 : f32
    %broadcast_in_dim3A_203 = vector.broadcast %jit3A_202 : f32 to vector<500x100xf32>
    %select_n3A_204 = arith.select %or3A_201, %broadcast_in_dim3A_203, %get3A_1 : vector<500x100xi1>, vector<500x100xf32>
    %reduce_max3A_205 = arith.constant dense<0xFF800000> : vector<100xf32>
    %reduce_max3A_206 = vector.multi_reduction <maximumf>, %select_n3A_204, %reduce_max3A_205 [0] : vector<500x100xf32> to vector<100xf32>
    %broadcast_in_dim3A_207 = vector.shape_cast %reduce_max3A_206 : vector<100xf32> to vector<1x100xf32>
    %eq3A_208 = vector.broadcast %broadcast_in_dim3A_207 : vector<1x100xf32> to vector<500x100xf32>
    %eq3A_209 = arith.cmpf oeq, %select_n3A_204, %eq3A_208 : vector<500x100xf32>
    %jit3A_210 = arith.constant -1 : i32
    %broadcast_in_dim3A_211 = vector.broadcast %jit3A_210 : i32 to vector<500x100xi32>
    %select_n3A_212 = arith.select %eq3A_209, %iota3A, %broadcast_in_dim3A_211 : vector<500x100xi1>, vector<500x100xi32>
    %reduce_max3A_213 = arith.constant dense<-2147483648> : vector<100xi32>
    %reduce_max3A_214 = vector.multi_reduction <maxsi>, %select_n3A_212, %reduce_max3A_213 [0] : vector<500x100xi32> to vector<100xi32>
    %broadcast_in_dim3A_215 = vector.shape_cast %reduce_max3A_214 : vector<100xi32> to vector<1x100xi32>
    %eq3A_216 = vector.broadcast %broadcast_in_dim3A_215 : vector<1x100xi32> to vector<500x100xi32>
    %eq3A_217 = arith.cmpi eq, %iota3A, %eq3A_216 : vector<500x100xi32>
    %or3A_218 = arith.ori %or3A_201, %eq3A_217 : vector<500x100xi1>
    %jit3A_219 = arith.constant 0xFF800000 : f32
    %broadcast_in_dim3A_220 = vector.broadcast %jit3A_219 : f32 to vector<500x100xf32>
    %select_n3A_221 = arith.select %or3A_218, %broadcast_in_dim3A_220, %get3A_1 : vector<500x100xi1>, vector<500x100xf32>
    %reduce_max3A_222 = arith.constant dense<0xFF800000> : vector<100xf32>
    %reduce_max3A_223 = vector.multi_reduction <maximumf>, %select_n3A_221, %reduce_max3A_222 [0] : vector<500x100xf32> to vector<100xf32>
    %broadcast_in_dim3A_224 = vector.shape_cast %reduce_max3A_223 : vector<100xf32> to vector<1x100xf32>
    %eq3A_225 = vector.broadcast %broadcast_in_dim3A_224 : vector<1x100xf32> to vector<500x100xf32>
    %eq3A_226 = arith.cmpf oeq, %select_n3A_221, %eq3A_225 : vector<500x100xf32>
    %jit3A_227 = arith.constant -1 : i32
    %broadcast_in_dim3A_228 = vector.broadcast %jit3A_227 : i32 to vector<500x100xi32>
    %select_n3A_229 = arith.select %eq3A_226, %iota3A, %broadcast_in_dim3A_228 : vector<500x100xi1>, vector<500x100xi32>
    %reduce_max3A_230 = arith.constant dense<-2147483648> : vector<100xi32>
    %reduce_max3A_231 = vector.multi_reduction <maxsi>, %select_n3A_229, %reduce_max3A_230 [0] : vector<500x100xi32> to vector<100xi32>
    %broadcast_in_dim3A_232 = vector.shape_cast %reduce_max3A_231 : vector<100xi32> to vector<1x100xi32>
    %eq3A_233 = vector.broadcast %broadcast_in_dim3A_232 : vector<1x100xi32> to vector<500x100xi32>
    %eq3A_234 = arith.cmpi eq, %iota3A, %eq3A_233 : vector<500x100xi32>
    %or3A_235 = arith.ori %or3A_218, %eq3A_234 : vector<500x100xi1>
    %jit3A_236 = arith.constant 0xFF800000 : f32
    %broadcast_in_dim3A_237 = vector.broadcast %jit3A_236 : f32 to vector<500x100xf32>
    %select_n3A_238 = arith.select %or3A_235, %broadcast_in_dim3A_237, %get3A_1 : vector<500x100xi1>, vector<500x100xf32>
    %reduce_max3A_239 = arith.constant dense<0xFF800000> : vector<100xf32>
    %reduce_max3A_240 = vector.multi_reduction <maximumf>, %select_n3A_238, %reduce_max3A_239 [0] : vector<500x100xf32> to vector<100xf32>
    %broadcast_in_dim3A_241 = vector.shape_cast %reduce_max3A_240 : vector<100xf32> to vector<1x100xf32>
    %eq3A_242 = vector.broadcast %broadcast_in_dim3A_241 : vector<1x100xf32> to vector<500x100xf32>
    %eq3A_243 = arith.cmpf oeq, %select_n3A_238, %eq3A_242 : vector<500x100xf32>
    %jit3A_244 = arith.constant -1 : i32
    %broadcast_in_dim3A_245 = vector.broadcast %jit3A_244 : i32 to vector<500x100xi32>
    %select_n3A_246 = arith.select %eq3A_243, %iota3A, %broadcast_in_dim3A_245 : vector<500x100xi1>, vector<500x100xi32>
    %reduce_max3A_247 = arith.constant dense<-2147483648> : vector<100xi32>
    %reduce_max3A_248 = vector.multi_reduction <maxsi>, %select_n3A_246, %reduce_max3A_247 [0] : vector<500x100xi32> to vector<100xi32>
    %broadcast_in_dim3A_249 = vector.shape_cast %reduce_max3A_248 : vector<100xi32> to vector<1x100xi32>
    %eq3A_250 = vector.broadcast %broadcast_in_dim3A_249 : vector<1x100xi32> to vector<500x100xi32>
    %eq3A_251 = arith.cmpi eq, %iota3A, %eq3A_250 : vector<500x100xi32>
    %or3A_252 = arith.ori %or3A_235, %eq3A_251 : vector<500x100xi1>
    %jit3A_253 = arith.constant 0.000000e+00 : f32
    %jit3A_254 = arith.constant 0.00206185575 : f32
    %broadcast_in_dim3A_255 = vector.broadcast %jit3A_253 : f32 to vector<500x100xf32>
    %broadcast_in_dim3A_256 = vector.broadcast %jit3A_254 : f32 to vector<500x100xf32>
    %select_n3A_257 = arith.select %or3A_252, %broadcast_in_dim3A_255, %broadcast_in_dim3A_256 : vector<500x100xi1>, vector<500x100xf32>
    %swap3A = arith.constant 0 : index
    %swap3A_258 = arith.constant 0 : index
    %swap3A_259 = vector.load %arg1[%swap3A, %swap3A_258] : memref<500x100xf32, #tpu.memory_space<vmem>>, vector<500x100xf32>
    tpu.vector_store %arg1[%swap3A, %swap3A_258], %select_n3A_257 {strides = array<i32>} : memref<500x100xf32, #tpu.memory_space<vmem>>, vector<500x100xf32>,
    return
  }
}

module attributes {stable_mosaic.version = 14 : i64} {
  func.func @_phi_body(%arg0: i32, %arg1: memref<1x1x5000xf32, #tpu.memory_space<vmem>>, %arg2: memref<5000x512xf32, #tpu.memory_space<vmem>>, %arg3: memref<100x512xf32, #tpu.memory_space<vmem>>, %arg4: memref<100x5000xf32, #tpu.memory_space<vmem>>) attributes {dimension_semantics = [#tpu.dimension_semantics<arbitrary>], iteration_bounds = array<i64: 10>, scalar_prefetch = 0 : i64, scratch_operands = 1 : i64, tpu.core_type = #tpu.core_type<tc>, window_params = [{transform_indices = @transform_0, window_bounds = array<i64: 1, 1, 5000>}, {transform_indices = @transform_1, window_bounds = array<i64: 5000, 512>}, {pipeline_mode = #tpu.pipeline_mode<synchronous>, transform_indices = @transform_2, window_bounds = array<i64: 100, 512>}]} {
    %eq3A = arith.constant 0 : i32
    %eq3A_0 = arith.cmpi eq, %arg0, %eq3A : i32
    %convert_element_type3A = arith.extui %eq3A_0 : i1 to i32
    %cond3A = arith.constant 0 : i32
    %cond3A_1 = arith.cmpi ne, %convert_element_type3A, %cond3A : i32
    scf.if %cond3A_1 {
      %iota3A = tpu.iota {dimensions = array<i32: 1>} : vector<100x5000xi32>
      %iota3A_23 = tpu.iota {dimensions = array<i32: 0>} : vector<100x5000xi32>
      %jit3A = arith.constant 100 : i32
      %div3A = vector.broadcast %jit3A : i32 to vector<100x5000xi32>
      %div3A_24 = arith.divsi %iota3A, %div3A : vector<100x5000xi32>
      %sign3A = arith.constant 0 : i32
      %sign3A_25 = vector.broadcast %sign3A : i32 to vector<100x5000xi32>
      %sign3A_26 = arith.cmpi sgt, %iota3A, %sign3A_25 : vector<100x5000xi32>
      %sign3A_27 = arith.extui %sign3A_26 : vector<100x5000xi1> to vector<100x5000xi32>
      %sign3A_28 = arith.constant 0 : i32
      %sign3A_29 = vector.broadcast %sign3A_28 : i32 to vector<100x5000xi32>
      %sign3A_30 = arith.cmpi slt, %iota3A, %sign3A_29 : vector<100x5000xi32>
      %sign3A_31 = arith.extui %sign3A_30 : vector<100x5000xi1> to vector<100x5000xi32>
      %sign3A_32 = arith.subi %sign3A_27, %sign3A_31 : vector<100x5000xi32>
      %sign3A_33 = arith.constant 0 : i32
      %sign3A_34 = arith.cmpi sgt, %jit3A, %sign3A_33 : i32
      %sign3A_35 = arith.extui %sign3A_34 : i1 to i32
      %sign3A_36 = arith.constant 0 : i32
      %sign3A_37 = arith.cmpi slt, %jit3A, %sign3A_36 : i32
      %sign3A_38 = arith.extui %sign3A_37 : i1 to i32
      %sign3A_39 = arith.subi %sign3A_35, %sign3A_38 : i32
      %ne3A = vector.broadcast %sign3A_39 : i32 to vector<100x5000xi32>
      %ne3A_40 = arith.cmpi ne, %sign3A_32, %ne3A : vector<100x5000xi32>
      %rem3A = vector.broadcast %jit3A : i32 to vector<100x5000xi32>
      %rem3A_41 = arith.remsi %iota3A, %rem3A : vector<100x5000xi32>
      %ne3A_42 = arith.constant 0 : i32
      %ne3A_43 = vector.broadcast %ne3A_42 : i32 to vector<100x5000xi32>
      %ne3A_44 = arith.cmpi ne, %rem3A_41, %ne3A_43 : vector<100x5000xi32>
      %and3A = arith.andi %ne3A_40, %ne3A_44 : vector<100x5000xi1>
      %sub3A = arith.constant 1 : i32
      %sub3A_45 = vector.broadcast %sub3A : i32 to vector<100x5000xi32>
      %sub3A_46 = arith.subi %div3A_24, %sub3A_45 : vector<100x5000xi32>
      %select_n3A = arith.select %and3A, %sub3A_46, %div3A_24 : vector<100x5000xi1>, vector<100x5000xi32>
      %mul3A_47 = arith.constant 100 : i32
      %mul3A_48 = vector.broadcast %mul3A_47 : i32 to vector<100x5000xi32>
      %mul3A_49 = arith.muli %select_n3A, %mul3A_48 : vector<100x5000xi32>
      %sub3A_50 = arith.subi %iota3A, %mul3A_49 : vector<100x5000xi32>
      %eq3A_51 = arith.cmpi eq, %sub3A_50, %iota3A_23 : vector<100x5000xi32>
      %convert_element_type3A_52 = arith.extui %eq3A_51 : vector<100x5000xi1> to vector<100x5000xi32>
      %convert_element_type3A_53 = arith.sitofp %convert_element_type3A_52 : vector<100x5000xi32> to vector<100x5000xf32>
      %swap3A_54 = arith.constant 0 : index
      %swap3A_55 = arith.constant 0 : index
      %swap3A_56 = vector.load %arg4[%swap3A_54, %swap3A_55] : memref<100x5000xf32, #tpu.memory_space<vmem>>, vector<100x5000xf32>
      tpu.vector_store %arg4[%swap3A_54, %swap3A_55], %convert_element_type3A_53 {strides = array<i32>} : memref<100x5000xf32, #tpu.memory_space<vmem>>, vector<100x5000xf32>,
      %broadcast_in_dim3A = arith.constant 0.000000e+00 : f32
      %broadcast_in_dim3A_57 = vector.broadcast %broadcast_in_dim3A : f32 to vector<100x512xf32>
      %swap3A_58 = arith.constant 0 : index
      %swap3A_59 = arith.constant 0 : index
      %swap3A_60 = vector.load %arg3[%swap3A_58, %swap3A_59] : memref<100x512xf32, #tpu.memory_space<vmem>>, vector<100x512xf32>
      tpu.vector_store %arg3[%swap3A_58, %swap3A_59], %broadcast_in_dim3A_57 {strides = array<i32>} : memref<100x512xf32, #tpu.memory_space<vmem>>, vector<100x512xf32>,
    } else {
    }
    %get3A = arith.constant 0 : index
    %get3A_2 = arith.constant 0 : index
    %get3A_3 = arith.constant 0 : index
    %get3A_4 = vector.load %arg1[%get3A, %get3A_2, %get3A_3] : memref<1x1x5000xf32, #tpu.memory_space<vmem>>, vector<1x1x5000xf32>
    %reshape3A = vector.shape_cast %get3A_4 : vector<1x1x5000xf32> to vector<1x5000xf32>
    %get3A_5 = arith.constant 0 : index
    %get3A_6 = arith.constant 0 : index
    %get3A_7 = vector.load %arg4[%get3A_5, %get3A_6] : memref<100x5000xf32, #tpu.memory_space<vmem>>, vector<100x5000xf32>
    %mul3A = vector.broadcast %reshape3A : vector<1x5000xf32> to vector<100x5000xf32>
    %mul3A_8 = arith.mulf %get3A_7, %mul3A : vector<100x5000xf32>
    %get3A_9 = arith.constant 0 : index
    %get3A_10 = arith.constant 0 : index
    %get3A_11 = vector.load %arg3[%get3A_9, %get3A_10] : memref<100x512xf32, #tpu.memory_space<vmem>>, vector<100x512xf32>
    %get3A_12 = arith.constant 0 : index
    %get3A_13 = arith.constant 0 : index
    %get3A_14 = vector.load %arg2[%get3A_12, %get3A_13] : memref<5000x512xf32, #tpu.memory_space<vmem>>, vector<5000x512xf32>
    %dot_general3A = arith.constant dense<0.000000e+00> : vector<100x512xf32>
    %dot_general3A_15 = tpu.matmul %mul3A_8, %get3A_14, %dot_general3A {dimension_numbers = #tpu.dot_dimension_numbers<[1], [0], [0], [1], [0, 0, 1, 1], [], []>, transpose_lhs_hint = false} : vector<100x5000xf32>, vector<5000x512xf32>, vector<100x512xf32> -> vector<100x512xf32>
    %add3A = arith.addf %get3A_11, %dot_general3A_15 : vector<100x512xf32>
    %swap3A = arith.constant 0 : index
    %swap3A_16 = arith.constant 0 : index
    %swap3A_17 = vector.load %arg3[%swap3A, %swap3A_16] : memref<100x512xf32, #tpu.memory_space<vmem>>, vector<100x512xf32>
    tpu.vector_store %arg3[%swap3A, %swap3A_16], %add3A {strides = array<i32>} : memref<100x512xf32, #tpu.memory_space<vmem>>, vector<100x512xf32>,
    %eq3A_18 = arith.constant 9 : i32
    %eq3A_19 = arith.cmpi eq, %arg0, %eq3A_18 : i32
    %convert_element_type3A_20 = arith.extui %eq3A_19 : i1 to i32
    %cond3A_21 = arith.constant 0 : i32
    %cond3A_22 = arith.cmpi ne, %convert_element_type3A_20, %cond3A_21 : i32
    scf.if %cond3A_22 {
      %get3A_23 = arith.constant 0 : index
      %get3A_24 = arith.constant 0 : index
      %get3A_25 = vector.load %arg3[%get3A_23, %get3A_24] : memref<100x512xf32, #tpu.memory_space<vmem>>, vector<100x512xf32>
      %mul3A_26 = arith.mulf %get3A_25, %get3A_25 : vector<100x512xf32>
      %reduce_sum3A = arith.constant dense<0.000000e+00> : vector<100xf32>
      %reduce_sum3A_27 = vector.multi_reduction <add>, %mul3A_26, %reduce_sum3A [1] : vector<100x512xf32> to vector<100xf32>
      %broadcast_in_dim3A = vector.shape_cast %reduce_sum3A_27 : vector<100xf32> to vector<100x1xf32>
      %sqrt3A = math.sqrt %broadcast_in_dim3A : vector<100x1xf32>
      %div3A = vector.broadcast %sqrt3A : vector<100x1xf32> to vector<100x512xf32>
      %div3A_28 = arith.divf %get3A_25, %div3A : vector<100x512xf32>
      %swap3A_29 = arith.constant 0 : index
      %swap3A_30 = arith.constant 0 : index
      %swap3A_31 = vector.load %arg3[%swap3A_29, %swap3A_30] : memref<100x512xf32, #tpu.memory_space<vmem>>, vector<100x512xf32>
      tpu.vector_store %arg3[%swap3A_29, %swap3A_30], %div3A_28 {strides = array<i32>} : memref<100x512xf32, #tpu.memory_space<vmem>>, vector<100x512xf32>,
    } else {
    }
    return
  }
  func.func @transform_0(%arg0: i32) -> (i32, i32, i32) {
    %c0_i32 = arith.constant 0 : i32
    %c0_i32_0 = arith.constant 0 : i32
    %c0_i32_1 = arith.constant 0 : i32
    return %arg0, %c0_i32, %c0_i32_0 : i32, i32, i32
  }
  func.func @transform_1(%arg0: i32) -> (i32, i32) {
    %c0_i32 = arith.constant 0 : i32
    %c0_i32_0 = arith.constant 0 : i32
    return %arg0, %c0_i32 : i32, i32
  }
  func.func @transform_2(%arg0: i32) -> (i32, i32) {
    %c0_i32 = arith.constant 0 : i32
    %c0_i32_0 = arith.constant 0 : i32
    %c0_i32_1 = arith.constant 0 : i32
    return %c0_i32, %c0_i32_0 : i32, i32
  }
}

module attributes {stable_mosaic.version = 14 : i64} {
  func.func @_loss_body(%arg0: i32, %arg1: memref<100x2048xf32, #tpu.memory_space<vmem>>, %arg2: memref<100x2048xf32, #tpu.memory_space<vmem>>, %arg3: memref<2048x512xf32, #tpu.memory_space<vmem>>, %arg4: memref<2048xf32, #tpu.memory_space<vmem>>, %arg5: memref<100x512xf32, #tpu.memory_space<vmem>>, %arg6: memref<1x1xf32, #tpu.memory_space<vmem>>, %arg7: memref<100x2048xf32, #tpu.memory_space<vmem>>) attributes {dimension_semantics = [#tpu.dimension_semantics<arbitrary>], iteration_bounds = array<i64: 8>, scalar_prefetch = 0 : i64, scratch_operands = 1 : i64, tpu.core_type = #tpu.core_type<tc>, window_params = [{transform_indices = @transform_0, window_bounds = array<i64: 100, 2048>}, {transform_indices = @transform_1, window_bounds = array<i64: 100, 2048>}, {transform_indices = @transform_2, window_bounds = array<i64: 2048, 512>}, {transform_indices = @transform_3, window_bounds = array<i64: 2048>}, {pipeline_mode = #tpu.pipeline_mode<synchronous>, transform_indices = @transform_4, window_bounds = array<i64: 100, 512>}, {pipeline_mode = #tpu.pipeline_mode<synchronous>, transform_indices = @transform_5, window_bounds = array<i64: 1, 1>}]} {
    %get3A = arith.constant 0 : index
    %get3A_0 = arith.constant 0 : index
    %get3A_1 = vector.load %arg1[%get3A, %get3A_0] : memref<100x2048xf32, #tpu.memory_space<vmem>>, vector<100x2048xf32>
    %get3A_2 = arith.constant 0 : index
    %get3A_3 = arith.constant 0 : index
    %get3A_4 = vector.load %arg2[%get3A_2, %get3A_3] : memref<100x2048xf32, #tpu.memory_space<vmem>>, vector<100x2048xf32>
    %get3A_5 = arith.constant 0 : index
    %get3A_6 = arith.constant 0 : index
    %get3A_7 = vector.load %arg3[%get3A_5, %get3A_6] : memref<2048x512xf32, #tpu.memory_space<vmem>>, vector<2048x512xf32>
    %get3A_8 = arith.constant 0 : index
    %get3A_9 = vector.load %arg4[%get3A_8] : memref<2048xf32, #tpu.memory_space<vmem>>, vector<2048xf32>
    %reshape3A = vector.shape_cast %get3A_9 : vector<2048xf32> to vector<1x2048xf32>
    %get3A_10 = arith.constant 0 : index
    %get3A_11 = arith.constant 0 : index
    %get3A_12 = vector.load %arg5[%get3A_10, %get3A_11] : memref<100x512xf32, #tpu.memory_space<vmem>>, vector<100x512xf32>
    %reduce_max3A = arith.constant dense<0xFF800000> : vector<2048xf32>
    %reduce_max3A_13 = vector.multi_reduction <maximumf>, %get3A_1, %reduce_max3A [0] : vector<100x2048xf32> to vector<2048xf32>
    %broadcast_in_dim3A = vector.shape_cast %reduce_max3A_13 : vector<2048xf32> to vector<1x2048xf32>
    %sub3A = vector.broadcast %broadcast_in_dim3A : vector<1x2048xf32> to vector<100x2048xf32>
    %sub3A_14 = arith.subf %get3A_1, %sub3A : vector<100x2048xf32>
    %exp3A = math.exp %sub3A_14 : vector<100x2048xf32>
    %reduce_sum3A = arith.constant dense<0.000000e+00> : vector<2048xf32>
    %reduce_sum3A_15 = vector.multi_reduction <add>, %exp3A, %reduce_sum3A [0] : vector<100x2048xf32> to vector<2048xf32>
    %broadcast_in_dim3A_16 = vector.shape_cast %reduce_sum3A_15 : vector<2048xf32> to vector<1x2048xf32>
    %div3A = vector.broadcast %broadcast_in_dim3A_16 : vector<1x2048xf32> to vector<100x2048xf32>
    %div3A_17 = arith.divf %exp3A, %div3A : vector<100x2048xf32>
    %broadcast_in_dim3A_18 = arith.constant 1.000000e+00 : f32
    %broadcast_in_dim3A_19 = vector.broadcast %broadcast_in_dim3A_18 : f32 to vector<1x512xf32>
    %mul3A = arith.mulf %get3A_7, %get3A_7 : vector<2048x512xf32>
    %dot_general3A = arith.constant dense<0.000000e+00> : vector<1x2048xf32>
    %dot_general3A_20 = tpu.matmul %broadcast_in_dim3A_19, %mul3A, %dot_general3A {dimension_numbers = #tpu.dot_dimension_numbers<[1], [1], [0], [0], [0, 0, 1, 0], [], []>, transpose_lhs_hint = false} : vector<1x512xf32>, vector<2048x512xf32>, vector<1x2048xf32> -> vector<1x2048xf32>
    %sqrt3A = math.sqrt %dot_general3A_20 : vector<1x2048xf32>
    %div3A_21 = arith.constant 1.000000e+00 : f32
    %div3A_22 = vector.broadcast %div3A_21 : f32 to vector<1x2048xf32>
    %div3A_23 = arith.divf %div3A_22, %sqrt3A : vector<1x2048xf32>
    %dot_general3A_24 = arith.constant dense<0.000000e+00> : vector<100x2048xf32>
    %dot_general3A_25 = tpu.matmul %get3A_12, %get3A_7, %dot_general3A_24 {dimension_numbers = #tpu.dot_dimension_numbers<[1], [1], [0], [0], [0, 0, 1, 0], [], []>, transpose_lhs_hint = false} : vector<100x512xf32>, vector<2048x512xf32>, vector<100x2048xf32> -> vector<100x2048xf32>
    %mul3A_26 = vector.broadcast %div3A_23 : vector<1x2048xf32> to vector<100x2048xf32>
    %mul3A_27 = arith.mulf %dot_general3A_25, %mul3A_26 : vector<100x2048xf32>
    %mul3A_28 = arith.mulf %mul3A_27, %get3A_4 : vector<100x2048xf32>
    %gt3A = arith.constant 0.000000e+00 : f32
    %gt3A_29 = vector.broadcast %gt3A : f32 to vector<100x2048xf32>
    %gt3A_30 = arith.cmpf ogt, %mul3A_28, %gt3A_29 : vector<100x2048xf32>
    %jit3A = arith.constant 0.000000e+00 : f32
    %broadcast_in_dim3A_31 = vector.broadcast %jit3A : f32 to vector<100x2048xf32>
    %select_n3A = arith.select %gt3A_30, %mul3A_28, %broadcast_in_dim3A_31 : vector<100x2048xi1>, vector<100x2048xf32>
    %mul3A_32 = vector.broadcast %reshape3A : vector<1x2048xf32> to vector<100x2048xf32>
    %mul3A_33 = arith.mulf %mul3A_32, %get3A_4 : vector<100x2048xf32>
    %add3A = arith.addf %div3A_17, %mul3A_33 : vector<100x2048xf32>
    %jit3A_34 = arith.constant 9.99999974E-5 : f32
    %jit3A_35 = arith.constant 1.000000e+00 : f32
    %max3A = vector.broadcast %jit3A_34 : f32 to vector<100x2048xf32>
    %max3A_36 = arith.maximumf %max3A, %add3A : vector<100x2048xf32>
    %min3A = vector.broadcast %jit3A_35 : f32 to vector<100x2048xf32>
    %min3A_37 = arith.minimumf %min3A, %max3A_36 : vector<100x2048xf32>
    %iota3A = tpu.iota {dimensions = array<i32: 0>} : vector<100x2048xi32>
    %eq3A = vector.broadcast %broadcast_in_dim3A : vector<1x2048xf32> to vector<100x2048xf32>
    %eq3A_38 = arith.cmpf oeq, %get3A_1, %eq3A : vector<100x2048xf32>
    %jit3A_39 = arith.constant 100 : i32
    %broadcast_in_dim3A_40 = vector.broadcast %jit3A_39 : i32 to vector<100x2048xi32>
    %select_n3A_41 = arith.select %eq3A_38, %iota3A, %broadcast_in_dim3A_40 : vector<100x2048xi1>, vector<100x2048xi32>
    %reduce_min3A = arith.constant dense<2147483647> : vector<2048xi32>
    %reduce_min3A_42 = vector.multi_reduction <minsi>, %select_n3A_41, %reduce_min3A [0] : vector<100x2048xi32> to vector<2048xi32>
    %broadcast_in_dim3A_43 = vector.shape_cast %reduce_min3A_42 : vector<2048xi32> to vector<1x2048xi32>
    %eq3A_44 = vector.broadcast %broadcast_in_dim3A_43 : vector<1x2048xi32> to vector<100x2048xi32>
    %eq3A_45 = arith.cmpi eq, %iota3A, %eq3A_44 : vector<100x2048xi32>
    %convert_element_type3A = arith.extui %eq3A_45 : vector<100x2048xi1> to vector<100x2048xi32>
    %convert_element_type3A_46 = arith.sitofp %convert_element_type3A : vector<100x2048xi32> to vector<100x2048xf32>
    %add3A_47 = arith.addf %convert_element_type3A_46, %mul3A_33 : vector<100x2048xf32>
    %sub3A_48 = arith.subf %add3A_47, %get3A_4 : vector<100x2048xf32>
    %mul3A_49 = arith.mulf %sub3A_48, %sub3A_48 : vector<100x2048xf32>
    %log3A = math.log %min3A_37 : vector<100x2048xf32>
    %mul3A_50 = arith.mulf %select_n3A, %log3A : vector<100x2048xf32>
    %sub3A_51 = arith.subf %mul3A_49, %mul3A_50 : vector<100x2048xf32>
    %eq3A_52 = arith.constant 0 : i32
    %eq3A_53 = arith.cmpi eq, %arg0, %eq3A_52 : i32
    %convert_element_type3A_54 = arith.extui %eq3A_53 : i1 to i32
    %cond3A = arith.constant 0 : i32
    %cond3A_55 = arith.cmpi ne, %convert_element_type3A_54, %cond3A : i32
    scf.if %cond3A_55 {
      %broadcast_in_dim3A_67 = arith.constant 0.000000e+00 : f32
      %broadcast_in_dim3A_68 = vector.broadcast %broadcast_in_dim3A_67 : f32 to vector<100x2048xf32>
      %swap3A_69 = arith.constant 0 : index
      %swap3A_70 = arith.constant 0 : index
      %swap3A_71 = vector.load %arg7[%swap3A_69, %swap3A_70] : memref<100x2048xf32, #tpu.memory_space<vmem>>, vector<100x2048xf32>
      tpu.vector_store %arg7[%swap3A_69, %swap3A_70], %broadcast_in_dim3A_68 {strides = array<i32>} : memref<100x2048xf32, #tpu.memory_space<vmem>>, vector<100x2048xf32>,
    } else {
    }
    %get3A_56 = arith.constant 0 : index
    %get3A_57 = arith.constant 0 : index
    %get3A_58 = vector.load %arg7[%get3A_56, %get3A_57] : memref<100x2048xf32, #tpu.memory_space<vmem>>, vector<100x2048xf32>
    %add3A_59 = arith.addf %get3A_58, %sub3A_51 : vector<100x2048xf32>
    %swap3A = arith.constant 0 : index
    %swap3A_60 = arith.constant 0 : index
    %swap3A_61 = vector.load %arg7[%swap3A, %swap3A_60] : memref<100x2048xf32, #tpu.memory_space<vmem>>, vector<100x2048xf32>
    tpu.vector_store %arg7[%swap3A, %swap3A_60], %add3A_59 {strides = array<i32>} : memref<100x2048xf32, #tpu.memory_space<vmem>>, vector<100x2048xf32>,
    %eq3A_62 = arith.constant 7 : i32
    %eq3A_63 = arith.cmpi eq, %arg0, %eq3A_62 : i32
    %convert_element_type3A_64 = arith.extui %eq3A_63 : i1 to i32
    %cond3A_65 = arith.constant 0 : i32
    %cond3A_66 = arith.cmpi ne, %convert_element_type3A_64, %cond3A_65 : i32
    scf.if %cond3A_66 {
      %get3A_67 = arith.constant 0 : index
      %get3A_68 = arith.constant 0 : index
      %get3A_69 = vector.load %arg7[%get3A_67, %get3A_68] : memref<100x2048xf32, #tpu.memory_space<vmem>>, vector<100x2048xf32>
      %reduce_sum3A_70 = vector.shape_cast %get3A_69 : vector<100x2048xf32> to vector<1x100x2048xf32>
      %reduce_sum3A_71 = arith.constant dense<0.000000e+00> : vector<1xf32>
      %reduce_sum3A_72 = vector.multi_reduction <add>, %reduce_sum3A_70, %reduce_sum3A_71 [1, 2] : vector<1x100x2048xf32> to vector<1xf32>
      %reduce_sum3A_73 = vector.shape_cast %reduce_sum3A_72 : vector<1xf32> to vector<1x1x1xf32>
      %reduce_sum3A_74 = vector.extract %reduce_sum3A_73[0, 0, 0] : f32 from vector<1x1x1xf32>
      %mul3A_75 = arith.constant 6.10351563E-5 : f32
      %mul3A_76 = arith.mulf %reduce_sum3A_74, %mul3A_75 : f32
      %broadcast_in_dim3A_77 = arith.constant 0.000000e+00 : f32
      %broadcast_in_dim3A_78 = vector.broadcast %broadcast_in_dim3A_77 : f32 to vector<1x1xf32>
      %add3A_79 = vector.broadcast %mul3A_76 : f32 to vector<1x1xf32>
      %add3A_80 = arith.addf %add3A_79, %broadcast_in_dim3A_78 : vector<1x1xf32>
      %swap3A_81 = arith.constant 0 : index
      %swap3A_82 = arith.constant 0 : index
      %swap3A_83 = vector.load %arg6[%swap3A_81, %swap3A_82] : memref<1x1xf32, #tpu.memory_space<vmem>>, vector<1x1xf32>
      tpu.vector_store %arg6[%swap3A_81, %swap3A_82], %add3A_80 {strides = array<i32>} : memref<1x1xf32, #tpu.memory_space<vmem>>, vector<1x1xf32>,
    } else {
    }
    return
  }
  func.func @transform_0(%arg0: i32) -> (i32, i32) {
    %c0_i32 = arith.constant 0 : i32
    %c0_i32_0 = arith.constant 0 : i32
    return %c0_i32, %arg0 : i32, i32
  }
  func.func @transform_1(%arg0: i32) -> (i32, i32) {
    %c0_i32 = arith.constant 0 : i32
    %c0_i32_0 = arith.constant 0 : i32
    return %c0_i32, %arg0 : i32, i32
  }
  func.func @transform_2(%arg0: i32) -> (i32, i32) {
    %c0_i32 = arith.constant 0 : i32
    %c0_i32_0 = arith.constant 0 : i32
    return %arg0, %c0_i32 : i32, i32
  }
  func.func @transform_3(%arg0: i32) -> i32 {
    %c0_i32 = arith.constant 0 : i32
    return %arg0 : i32
  }
  func.func @transform_4(%arg0: i32) -> (i32, i32) {
    %c0_i32 = arith.constant 0 : i32
    %c0_i32_0 = arith.constant 0 : i32
    %c0_i32_1 = arith.constant 0 : i32
    return %c0_i32, %c0_i32_0 : i32, i32
  }
  func.func @transform_5(%arg0: i32) -> (i32, i32) {
    %c0_i32 = arith.constant 0 : i32
    %c0_i32_0 = arith.constant 0 : i32
    %c0_i32_1 = arith.constant 0 : i32
    return %c0_i32, %c0_i32_0 : i32, i32
  }
}

</mosaic_0001>

<sc_bundles>
// kernel: kernel.6.cloned.1.call-start
scs
__scs_entry_jumppad:
0x0: {  	(pc) =	sbr.rel $0x88, $3  }
0x1: {  	(tag) =	ssettag $0x0;
	lr =	simm.s32 $0x1  }
0x2: {  	[smem:$0x3F9A] =	sst lr;
	_ =	strace $0xD0000000  }
0x3: {  	_ = 	snop  }
0x4: {  	_ = 	snop  }
0x5: {  	_ = 	snop  }
0x6: {  	_ = 	snop  }
0x7: {  	_ = 	snop  }
__scs_overlays_trampoline_lowered:
0x8: {  	[smem:$0x3FA9] =	sst s0  }
0x9: {  	[smem:$0x3FAA] =	sst s1  }
0xa: {  	[smem:$0x3FAB] =	sst s2  }
0xb: {  	[smem:$0x3FAC] =	sst s3  }
0xc: {  	[smem:$0x3FAD] =	sst s4  }
0xd: {  	[smem:$0x3FAE] =	sst s5  }
0xe: {  	[smem:$0x3FAF] =	sst s6  }
0xf: {  	[smem:$0x3FB0] =	sst s7  }
0x10: {  	[smem:$0x3FB1] =	sst s8  }
0x11: {  	[smem:$0x3FB2] =	sst s9;
	s0 =	simm.s32 @!p0 $0x0  }
0x12: {  	s1 =	sld [smem:$0x3F98];
	s0 =	simm.s32 @p0 $0x1  }
0x13: {  	[smem:$0x3FB3] =	sst s0;
	s0 =	simm.s32 @!p1 $0x0  }
0x14: {  	s2 =	sld [smem:$0x3F97];
	s0 =	simm.s32 @p1 $0x1  }
0x15: {  	[smem:$0x3FB4] =	sst s0;
	s0 =	simm.s32 @!p2 $0x0  }
0x16: {  	s3 =	sld [smem:$0x3FDB];
	s0 =	simm.s32 @p2 $0x1  }
0x17: {  	s4 =	simm.s32 $0x1BF5;
	[smem:$0x3FB6] =	sst s0  }
0x18: {  	s0 =	sld [smem:$0x3F99];
	_ =	swait.ge [sflag:s4], $0x0  }
0x19: {  	s7 =	sld [smem:$0x3F9A]  }
0x1a: {  	s8 =	sadd.s32 $0xFFFFE003, lr  }
0x1b: {  	s9 =	sadd.s32 $0xFFFFFEF7, lr;
	s5 =	simm.s32 $0xFFFFFFFF;
	p2 =	slt.u32 s8, $0xFFFFF086  }
0x1c: {  	p1 =	slt.u32 s9, $0xF7A;
	s5 =	simm.s32 @!p2 $0x0  }
0x1d: {  	s5 =	simm.s32 @p1 $0x1;
	p0 =	seq.s32 s7, s2  }
0x1e: {  	s7 =	smul.u32 @!p0 $0xF7A, s2;
	p2 =	seq.s32 @!p0 s5, $0x0  }
0x1f: {  	s9 =	smul.u32 $0xF7A, s1;
	s8 =	simm.s32 @!p0 $0x1BF5;
	p2 =	por !p2, p0  }
0x20: {  	[sflag:s8] =	ssyncset.s32 @!p0 $0xFFFFF086;
	s6 =	sadd.s32 @!p0 s3, s7;
	s7 =	simm.s32 @!p0 $0x108  }
0x21: {  	s3 =	sadd.s32 s3, s9;
	s6 =	sadd.s32 @!p0 $0x88, s6;
	s7 =	simm.s32 @p2 $0x1082  }
0x22: {  	[simem:s7], [sflag:s8] =	dma.local @!p0 [hbm:s6], $0xF7A  }
0x23: {  	s9 =	sor.u32 $0xD0000000, s2;
	s6 =	simm.s32 $0x108;
	_ =	swait.ge @!p0 [sflag:s8], $0x0  }
0x24: {  	s3 =	sadd.s32 $0x88, s3;
	s6 =	simm.s32 @!p1 $0x1082;
	[sflag:s4] =	ssyncset.s32 $0xFFFFF086  }
0x25: {  	[simem:s6], [sflag:s4] =	dma.local [hbm:s3], $0xF7A  }
0x26: {  	[smem:$0x3F9A] =	sst s1;
	(tag) =	ssettag s2;
	_ =	strace s9  }
0x27: {  	s1 =	sld [smem:$0x3FAA]  }
0x28: {  	s2 =	sld [smem:$0x3FAB]  }
0x29: {  	s4 =	sld [smem:$0x3FAD]  }
0x2a: {  	p0 =	seq.s32 s5, $0x0;
	s5 =	sld [smem:$0x3FAE]  }
0x2b: {  	s6 =	sld [smem:$0x3FAF]  }
0x2c: {  	s7 =	sld [smem:$0x3FB0]  }
0x2d: {  	s3 =	simm.s32 $0x108;
	s8 =	sld [smem:$0x3FB1]  }
0x2e: {  	s3 =	simm.s32 @!p0 $0x1082;
	s9 =	sld [smem:$0x3FB2]  }
0x2f: {  	lr =	sadd.s32 s0, s3;
	s0 =	sld [smem:$0x3FA9]  }
0x30: {  	s3 =	sld [smem:$0x3FAC]  }
0x31: {  	[smem:$0x3FB5] =	sst s10  }
0x32: {  	s10 =	sld [smem:$0x3FB3];
	_ =	sdelay $0x3  }
0x33: {  	p0 =	seq.s32 s10, $0x1;
	s10 =	sld [smem:$0x3FB5];
	_ =	sdelay $0x3  }
0x34: {  	[smem:$0x3FB5] =	sst s10  }
0x35: {  	s10 =	sld [smem:$0x3FB4];
	_ =	sdelay $0x3  }
0x36: {  	p1 =	seq.s32 s10, $0x1;
	s10 =	sld [smem:$0x3FB5];
	_ =	sdelay $0x3  }
0x37: {  	[smem:$0x3FB5] =	sst s10  }
0x38: {  	s10 =	sld [smem:$0x3FB6]  }
0x39: {  	_ = 	snop;
	(pc) =	sbr.ind lr, $3  }
0x3a: {  	_ = 	snop  }
0x3b: {  	_ = 	snop  }
0x3c: {  	p2 =	seq.s32 s10, $0x1;
	s10 =	sld [smem:$0x3FB5]  }
0x3d: {  	_ =	shalt  }
0x3e: {  	_ =	shalt  }
0x3f: {  	_ =	shalt  }
0x40: {  	_ =	shalt  }
0x41: {  	_ =	shalt  }
0x42: {  	_ =	shalt  }
0x43: {  	_ =	shalt  }
0x44: {  	_ =	shalt  }
0x45: {  	_ =	shalt  }
0x46: {  	_ =	shalt  }
0x47: {  	_ =	shalt  }
0x48: {  	_ =	shalt  }
0x49: {  	_ =	shalt  }
0x4a: {  	_ =	shalt  }
0x4b: {  	_ =	shalt  }
0x4c: {  	_ =	shalt  }
0x4d: {  	_ =	shalt  }
0x4e: {  	_ =	shalt  }
0x4f: {  	_ =	shalt  }
0x50: {  	_ =	shalt  }
0x51: {  	_ =	shalt  }
0x52: {  	_ =	shalt  }
0x53: {  	_ =	shalt  }
0x54: {  	_ =	shalt  }
0x55: {  	_ =	shalt  }
0x56: {  	_ =	shalt  }
0x57: {  	_ =	shalt  }
0x58: {  	_ =	shalt  }
0x59: {  	_ =	shalt  }
0x5a: {  	_ =	shalt  }
0x5b: {  	_ =	shalt  }
0x5c: {  	_ =	shalt  }
0x5d: {  	_ =	shalt  }
0x5e: {  	_ =	shalt  }
0x5f: {  	_ =	shalt  }
0x60: {  	_ =	shalt  }
0x61: {  	_ =	shalt  }
0x62: {  	_ =	shalt  }
0x63: {  	_ =	shalt  }
0x64: {  	_ =	shalt  }
0x65: {  	_ =	shalt  }
0x66: {  	_ =	shalt  }
0x67: {  	_ =	shalt  }
0x68: {  	_ =	shalt  }
0x69: {  	_ =	shalt  }
0x6a: {  	_ =	shalt  }
0x6b: {  	_ =	shalt  }
0x6c: {  	_ =	shalt  }
0x6d: {  	_ =	shalt  }
0x6e: {  	_ =	shalt  }
0x6f: {  	_ =	shalt  }
0x70: {  	_ =	shalt  }
0x71: {  	_ =	shalt  }
0x72: {  	_ =	shalt  }
0x73: {  	_ =	shalt  }
0x74: {  	_ =	shalt  }
0x75: {  	_ =	shalt  }
0x76: {  	_ =	shalt  }
0x77: {  	_ =	shalt  }
0x78: {  	_ =	shalt  }
0x79: {  	_ =	shalt  }
0x7a: {  	_ =	shalt  }
0x7b: {  	_ =	shalt  }
0x7c: {  	_ =	shalt  }
0x7d: {  	_ =	shalt  }
0x7e: {  	_ =	shalt  }
0x7f: {  	_ =	shalt  }
0x80: {  	_ =	shalt  }
0x81: {  	_ =	shalt  }
0x82: {  	_ =	shalt  }
0x83: {  	_ =	shalt  }
0x84: {  	_ =	shalt  }
0x85: {  	_ =	shalt  }
0x86: {  	_ =	shalt  }
0x87: {  	_ =	shalt  }
.Lfunc_end0:
.L_simem_size_0:
called_computation_lowered:
.L_overlay_start_0:
0x88: {  	s2 =	sld [smem:$0x3FD9]  }
0x89: {  	s3 =	sld [smem:$0x3FFE];
	_ =	sdelay $0x1  }
0x8a: {  	s1 =	srdreg.scid  }
0x8b: {  	s0 =	sand.u32 $0x1, s1  }
0x8c: {  	s16 =	sshll.u32 s0, $0xA;
	s2 =	sadd.s32 s3, s2  }
0x8d: {  	s2 =	sadd.s32 s2, s16  }
0x8e: {  	[smem:$0x3FC1] =	sst s2  }
0x8f: {  	_ = 	snop  }
0x90: {  	(tm) =	ssettm $0x1  }
0x91: {  	s17 =	sld [smem:$0x3FFB];
	_ =	sdelay $0x3  }
0x92: {  	_ =	strace s17  }
0x93: {  	s2 =	sld [smem:$0x3FFC];
	_ =	sdelay $0x3  }
0x94: {  	_ =	strace s2  }
0x95: {  	s2 =	sld [smem:$0x3FFD];
	_ =	sdelay $0x3  }
0x96: {  	_ =	strace s2  }
0x97: {  	_ =	strace $0x8FFFFFFF  }
0x98: {  	s18 =	sld [smem:$0x3FDB];
	_ =	sdelay $0x1  }
0x99: {  	s19 =	simm.s32 $_scs_section_size  }
0x9a: {  	s4 =	simm.s32 $_size__tile_overlayer_lowered;
	s5 =	simm.s32 $_tile_overlayer_lowered  }
0x9b: {  	s22 =	simm.s32 $0x1BFF;
	s21 =	sshll.u32 s5, $0x1;
	s2 =	sadd.s32 s19, s18  }
0x9c: {  	s6 =	simm.s32 $0x0;
	s20 =	sshll.u32 s4, $0x1;
	s4 =	sadd.s32 s21, s2  }
0x9d: {  	[timem:s6], [sflag:s22] =	dma.local [hbm:s4], s20  }
0x9e: {  	_ =	swait.ge [sflag:s22], s20  }
0x9f: {  	s3 =	ssub.s32 $0x0, s20;
	[sflag:s22] =	ssyncset.done $0x0  }
0xa0: {  	[sflag:s22] =	ssyncadd.s32 s3;
	_ =	sdelay $0x1  }
0xa1: {  	s23 =	simm.s32 $0x1B8B  }
0xa2: {  	_ =	swait.ge [sflag:s23], $0x1  }
0xa3: {  	[sflag:s23] =	ssyncset.done $0x0  }
0xa4: {  	s25 =	simm.s32 $0x1B8E;
	s24 =	sld [smem:$0x3FFE];
	[sflag:s23] =	ssyncadd.s32 $0xFFFFFFFF  }
0xa5: {  	s26 =	simm.s32 $execute0_lowered;
	[smem:$0x3FD2] =	sst s25  }
0xa6: {  	s4 =	sshll.u32 s26, $0x1;
	_ =	strace $0x80000046;
	[dreg:$0x1] =	wrdreg $0xFFFFFFFF  }
0xa7: {  	s28 =	simm.s32 $_size_execute0_lowered;
	s2 =	sadd.s32 s2, s4;
	[dreg:$0x0] =	wrdreg $0x0  }
0xa8: {  	s4 =	sshll.u32 s28, $0x1;
	[dreg:$0x2] =	wrdreg s2  }
0xa9: {  	[dreg:$0x3] =	wrdreg s4  }
0xaa: {  	[dreg:$0x4] =	wrdreg $0xC0  }
0xab: {  	_ =	task [dreg:s6], $0x5FFFF  }
0xac: {  	[dreg:$0x1] =	wrdreg $0xFFFFFFFF  }
0xad: {  	[dreg:$0x0] =	wrdreg $0x60  }
0xae: {  	[dreg:$0x2] =	wrdreg s24  }
0xaf: {  	[dreg:$0x3] =	wrdreg $0x9  }
0xb0: {  	_ =	task.clear_ibuf [dreg:s6], $0x4FFFF;
	_ =	strace $0x90000046  }
0xb1: {  	s29 =	simm.s32 $0x9;
	_ =	strace $0x80000048  }
0xb2: {  	_ =	swait.ge [sflag:s29], $0x1  }
0xb3: {  	[sflag:s29] =	ssyncadd.s32 $0xFFFFFFFF  }
0xb4: {  	_ =	strace $0x90000048  }
0xb5: {  	_ =	sfence  }
0xb6: {  	s30 =	sld [smem:$0x0];
	_ =	sdelay $0x2  }
0xb7: {  	s31 =	sshll.u32 s1, $0xD;
	s1 =	sshrl.u32 s1, $0x2  }
0xb8: {  	s3 =	sand.u32 $0x4000, s31;
	s1 =	sadd.s32 s1, s30  }
0xb9: {  	s0 =	sor.u32 s3, s0;
	s1 =	sshll.u32 s1, $0x11  }
0xba: {  	s0 =	sor.u32 s1, s0  }
0xbb: {  	s0 =	sadd.s32 $0x8F2B, s0  }
0xbc: {  	[sflag:s0] =	ssyncadd.remote.s32 $0x1  }
0xbd: {  	_ =	sfence.sel $0xFFFF  }
0xbe: {  	[dreg:$0x0] =	wrdreg $0xFFFFFFFF;
	(pc) =	sbr.abs _section_cstart, $3  }
0xbf: {  	[dreg:$0x1] =	wrdreg $0xFFFFFFFF  }
0xc0: {  	_ =	task.clear_ibuf [dreg:s6], $0x2FFFF;
	_ =	strace $0x9FFFFFFF  }
0xc1: {  	(tm) =	ssettm $0x7FFFFFFF  }
tec
execute0_lowered:
.L_overlay_start_1:
0x0: {  	(tag) =	ssettag $0x1  }
0x1: {  	s1 =	srdreg.scid  }
0x2: {  	s0 =	stileid.u32;
	s6 =	sand.u32 $0x1, s1  }
0x3: {  	s8 =	rddreg [dreg:$0x0];
	s2 =	sshll.u32 s0, $0xA;
	s3 =	sshll.u32 s6, $0x9  }
0x4: {  	s1 =	rddreg [dreg:$0x1];
	s4 =	sor.u32 s3, s2  }
0x5: {  	s2 =	simm.s32 $0x0;
	s3 =	sadd.s32 $0xA00, s8;
	s9 =	sshrl.u32 s4, $0x3  }
0x6: {  	s10 =	ssub.s32 $0x2, s6;
	[smem:$0x7FF] =	sst s2;
	s4 =	sadd.s32 s3, s9  }
0x7: {  	_ =	strace $0x80000047;
	s5 =	sadd.s32 $0x186A, s4;
	s4 =	simm.s32 $0x2  }
0x8: {  	[tilespmem:s2], [sflag:$0x2] =	stream.linear.gather [hbm4b:s5+s2], $0x200, $0x38;
	[tilespmem:$0x400] =	vst v63  }
0x9: {  	s7 =	simm.s32 $0x1;
	s11 =	sshrl.u32 s10, $0x1;
	_ =	swait.ge [sflag:s4], $0x200  }
0xa: {  	s6 =	simm.s32 $0x200;
	s31 =	ssub.s32 s10, s11;
	[sflag:s4] =	ssyncset.done $0x0  }
0xb: {  	s8 =	sadd.s32 s9, s8;
	s9 =	smax.u32 s31, $0x1;
	[sflag:s4] =	ssyncadd.s32 $0xFFFFFE00  }
0xc: {  	[tilespmem:s6], [sflag:$0x1] =	stream.indirect.gather [hbm4b:s3+s6], $0x1, s2, s6, $0xb8;
	[tilespmem:$0x400] =	vst v63  }
0xd: {  	p0 =	sne.s32 s9, $0x1;
	_ =	swait.ge [sflag:s7], $0x200  }
.Ltmp0:
0xe: {  	[sflag:s7] =	ssyncset.done $0x0;
	(pc) =	sbr.rel @!p0 .LBB2_2-.Ltmp0, $4  }
0xf: {  	s8 =	sadd.s32 $0x2C00, s8;
	[sflag:s7] =	ssyncadd.s32 $0xFFFFFE00  }
0x10: {  	[hbm4b:s8+s2] =	stream.linear.scatter [tilespmem:s6], [sflag:$0x2], $0x200, $0x38;
	[tilespmem:$0x400] =	vst v63  }
0x11: {  	_ =	swait.ge [sflag:s4], $0x200  }
0x12: {  	s9 =	sadd.s32 $0xFFFFFFFF, s9;
	[sflag:s4] =	ssyncset.done $0x0  }
.LBB2_1:
0x13: {  	p0 =	sne.s32 s9, $0x1;
	s9 =	sadd.s32 $0xFFFFFFFF, s9;
	[sflag:s4] =	ssyncadd.s32 $0xFFFFFE00  }
0x14: {  	[tilespmem:s2], [sflag:$0x2] =	stream.linear.gather [hbm4b:s5+s2], $0x200, $0x38;
	[tilespmem:$0x400] =	vst v63  }
0x15: {  	_ =	swait.ge [sflag:s4], $0x200  }
0x16: {  	[sflag:s4] =	ssyncset.done $0x0  }
0x17: {  	[sflag:s4] =	ssyncadd.s32 $0xFFFFFE00  }
0x18: {  	[tilespmem:s6], [sflag:$0x1] =	stream.indirect.gather [hbm4b:s3+s6], $0x1, s2, s6, $0xb8;
	[tilespmem:$0x400] =	vst v63  }
0x19: {  	_ =	swait.ge [sflag:s7], $0x200  }
.Ltmp1:
0x1a: {  	[sflag:s7] =	ssyncset.done $0x0;
	(pc) =	sbr.rel @p0 .LBB2_1-.Ltmp1, $4  }
0x1b: {  	[sflag:s7] =	ssyncadd.s32 $0xFFFFFE00  }
0x1c: {  	[hbm4b:s8+s2] =	stream.linear.scatter [tilespmem:s6], [sflag:$0x2], $0x200, $0x38;
	[tilespmem:$0x400] =	vst v63  }
0x1d: {  	_ =	swait.ge [sflag:s4], $0x200  }
0x1e: {  	[sflag:s4] =	ssyncset.done $0x0  }
.LBB2_2:
0x1f: {  	[sflag:s4] =	ssyncadd.s32 $0xFFFFFE00  }
0x20: {  	_ =	sfence.sel $0x180000  }
0x21: {  	[bflag:$0x0] =	sbarrier.arrive $0xFFFF  }
0x22: {  	p0 =	sne.s32 s0, $0x0;
	_ =	strace $0x90000047  }
0x23: {  	s0 =	sadd.s32 @!p0 $0x100000, s1;
	[bflag:$0x2] =	sbarrier.arrive $0xFFFF  }
0x24: {  	[sflag:s0] =	ssyncadd.tile.s32 @!p0 $0x1;
	_ =	shalt  }
.Lfunc_end2:
_tile_overlayer_lowered:
.L_overlay_start_2:
0x25: {  	(tag) =	ssettag $0x2  }
0x26: {  	s0 =	rddreg [dreg:$0x0];
	s2 =	stileid.u32  }
0x27: {  	s1 =	rddreg [dreg:$0x1];
	p0 =	sne.s32 s2, $0x0  }
0x28: {  	s3 =	rddreg [dreg:$0x2];
	[bflag:$0x3] =	sbarrier.arrive $0xFFFF;
	s2 =	simm.s32 @!p0 $0x1C02  }
0x29: {  	[timem:s3], [sflag:s2] =	dma.local @!p0 [hbm:s0], s1  }
0x2a: {  	s0 =	simm.s32 @!p0 $0x2  }
0x2b: {  	_ =	swait.ge @!p0 [sflag:s0], s1  }
0x2c: {  	s1 =	ssub.s32 @!p0 $0x0, s1;
	[sflag:s0] =	ssyncset.done @!p0 $0x0  }
0x2d: {  	[sflag:s0] =	ssyncadd.s32 @!p0 s1  }
0x2e: {  	[bflag:$0x3] =	sbarrier.arrive $0xFFFF  }
0x2f: {  	_ =	shalt  }

</sc_bundles>
